<compile_context>
chip_gen: v7x
topology: tpu7x:2x2x1
jax: 0.10.2.dev20260603
libtpu: 0.0.44.dev20260713+nightly
codegen_flags: <defaults>
</compile_context>

<pallas_src>
import jax
import jax.numpy as jnp
from jax import lax
from jax.experimental import pallas as pl
from jax.experimental.pallas import tpu as pltpu


def _ln_rows(x):
    m = jnp.mean(x, axis=-1, keepdims=True)
    v = jnp.mean((x - m) ** 2, axis=-1, keepdims=True)
    return (x - m) / jnp.sqrt(v + 1e-5)


def _text_body(text_ref, wt_ref, bt_ref, gate_ref, out_ref):
    t = lax.dot_general(text_ref[...], wt_ref[...],
                        (((1,), (1,)), ((), ())),
                        preferred_element_type=jnp.float32)
    t = jax.nn.relu(t + bt_ref[...]) * 0.1
    tn = _ln_rows(t)
    gate = jax.nn.sigmoid(gate_ref[0, 0])
    out_ref[...] = gate * tn


def _mlp_body(sp_ref, ws_ref, bs_ref, tg_ref, wo_ref, bo_ref, fused_ref):
    sp = sp_ref[0]
    fs = lax.dot_general(sp, ws_ref[...], (((1,), (1,)), ((), ())),
                         preferred_element_type=jnp.float32) + bs_ref[...]
    fsn = _ln_rows(fs) + tg_ref[0]
    fo = lax.dot_general(fsn, wo_ref[...], (((1,), (1,)), ((), ())),
                         preferred_element_type=jnp.float32) + bo_ref[...]
    nrm = jnp.sqrt(jnp.sum(fo * fo, axis=1, keepdims=True))
    spn = jnp.sqrt(jnp.sum(sp * sp, axis=1, keepdims=True))
    fused_ref[0] = fo / jnp.maximum(nrm, 1e-12) * spn


def kernel(tensor, text_emb, W1, b1, W2, b2, Ws, bs, Wt, bt, Wo, bo, gate_param):
    B, C, H, Wd = tensor.shape
    HW = H * Wd
    K = max(1, int(HW * 0.5))
    embed_dim = Ws.shape[0]

    feat_flat = jnp.transpose(tensor.reshape(B, C, HW), (0, 2, 1))
    dn = ('NCHW', 'OIHW', 'NCHW')
    x = lax.conv_general_dilated(tensor, W1, (1, 1), [(0, 0), (0, 0)],
                                 dimension_numbers=dn) + b1.reshape(1, -1, 1, 1)
    x1 = lax.conv_general_dilated(x, W2, (1, 1), [(2, 2), (2, 2)],
                                  rhs_dilation=(2, 2), dimension_numbers=dn) + b2.reshape(1, -1, 1, 1)
    density_map = jax.nn.relu(x1 + x)
    density_flat = density_map.reshape(B, -1)
    _, topk_idx = lax.top_k(density_flat, K)
    sparse_feat = jnp.take_along_axis(feat_flat, topk_idx[:, :, None], axis=1)

    tg = pl.pallas_call(
        _text_body,
        out_shape=jax.ShapeDtypeStruct((B, embed_dim), jnp.float32),
    )(text_emb, Wt, bt.reshape(1, -1), gate_param.reshape(1, 1))

    RB = 512
    fused = pl.pallas_call(
        _mlp_body,
        grid=(B, K // RB),
        in_specs=[
            pl.BlockSpec((1, RB, C), lambda b, r: (b, r, 0)),
            pl.BlockSpec((embed_dim, C), lambda b, r: (0, 0)),
            pl.BlockSpec((1, embed_dim), lambda b, r: (0, 0)),
            pl.BlockSpec((1, 1, embed_dim), lambda b, r: (b, 0, 0)),
            pl.BlockSpec((C, embed_dim), lambda b, r: (0, 0)),
            pl.BlockSpec((1, C), lambda b, r: (0, 0)),
        ],
        out_specs=pl.BlockSpec((1, RB, C), lambda b, r: (b, r, 0)),
        out_shape=jax.ShapeDtypeStruct((B, K, C), jnp.float32),
    )(sparse_feat, Ws, bs.reshape(1, -1), tg.reshape(B, 1, embed_dim), Wo, bo.reshape(1, -1))

    tensor_flat = feat_flat.at[jnp.arange(B)[:, None], topk_idx].set(fused)
    out = jnp.transpose(tensor_flat, (0, 2, 1)).reshape(B, C, H, Wd)
    return out, density_map, topk_idx, fused

# --- scband reference (transcript-rebuilt; emitter-appended) ---
"""Pipeline reference for scband-sparse-text-fusion-31009663877510 (READ-ONLY COPY).

The authoritative reference and input builder live on the scoring server;
editing this copy changes nothing except your own understanding.
"""

import jax, jax.numpy as jnp
import numpy as np


def _ln(x):
    m = jnp.mean(x, axis=-1, keepdims=True)
    v = jnp.var(x, axis=-1, keepdims=True)
    return (x - m) / jnp.sqrt(v + 1e-5)


def _forward(tensor, text_emb, W1, b1, W2, b2, Ws, bs, Wt, bt, Wo, bo, gate_param):
    B, C, H, Wd = tensor.shape
    topk_ratio = 0.5
    fusion_scale = 0.1
    feat_flat = jnp.transpose(tensor.reshape(B, C, H * Wd), (0, 2, 1))
    num_topk = max(1, int(H * Wd * topk_ratio))
    dn = ('NCHW', 'OIHW', 'NCHW')
    x = jax.lax.conv_general_dilated(tensor, W1, (1, 1), [(0, 0), (0, 0)], dimension_numbers=dn) + b1.reshape(1, -1, 1, 1)
    x1 = jax.lax.conv_general_dilated(x, W2, (1, 1), [(2, 2), (2, 2)], rhs_dilation=(2, 2), dimension_numbers=dn) + b2.reshape(1, -1, 1, 1)
    density_map = jax.nn.relu(x1 + x)
    density_flat = density_map.reshape(B, -1)
    topk_vals, topk_idx = jax.lax.top_k(density_flat, num_topk)
    sparse_feat = jnp.take_along_axis(feat_flat, topk_idx[:, :, None], axis=1)
    text_feat = text_emb @ Wt.T + bt
    text_feat = jax.nn.relu(text_feat) * fusion_scale
    fused_sparse = sparse_feat @ Ws.T + bs
    fused_sparse_norm = _ln(fused_sparse)
    text_feat_norm = _ln(text_feat)[:, None, :]
    gate = jax.nn.sigmoid(gate_param)
    fused_sparse = fused_sparse_norm + gate * text_feat_norm
    fused_sparse = fused_sparse @ Wo.T + bo
    nrm = jnp.linalg.norm(fused_sparse, axis=-1, keepdims=True)
    fused_sparse = fused_sparse / jnp.maximum(nrm, 1e-12) * jnp.linalg.norm(sparse_feat, axis=-1, keepdims=True)
    tensor_flat = feat_flat.at[jnp.arange(B)[:, None], topk_idx].set(fused_sparse)
    out = jnp.transpose(tensor_flat, (0, 2, 1)).reshape(B, C, H, Wd)
    return out, density_map, topk_idx, fused_sparse


def setup_inputs(seed: int = 0) -> dict:
    key = jax.random.key(seed)
    ks = jax.random.split(key, 8)
    B, C, H, W = 8, 512, 64, 64
    embed_dim, text_dim = 256, 768
    inp = {}
    inp['tensor'] = jax.random.normal(ks[0], (B, C, H, W), dtype=jnp.float32)
    inp['text_emb'] = jax.random.normal(ks[1], (B, text_dim), dtype=jnp.float32)
    inp['W1'] = jax.random.normal(ks[2], (1, C, 1, 1), dtype=jnp.float32) * 0.02
    inp['b1'] = jnp.zeros((1,), dtype=jnp.float32)
    inp['W2'] = jax.random.normal(ks[3], (1, 1, 3, 3), dtype=jnp.float32) * 0.1
    inp['b2'] = jnp.zeros((1,), dtype=jnp.float32)
    inp['Ws'] = jax.random.normal(ks[4], (embed_dim, C), dtype=jnp.float32) * 0.02
    inp['bs'] = jnp.zeros((embed_dim,), dtype=jnp.float32)
    inp['Wt'] = jax.random.normal(ks[5], (embed_dim, text_dim), dtype=jnp.float32) * 0.02
    inp['bt'] = jnp.zeros((embed_dim,), dtype=jnp.float32)
    inp['Wo'] = jax.random.normal(ks[6], (C, embed_dim), dtype=jnp.float32) * 0.02
    inp['bo'] = jnp.zeros((C,), dtype=jnp.float32)
    inp['gate_param'] = jnp.zeros((1,), dtype=jnp.float32)
    return inp


def reference(tensor, text_emb, W1, b1, W2, b2, Ws, bs, Wt, bt, Wo, bo, gate_param):
    return _forward(tensor, text_emb, W1, b1, W2, b2, Ws, bs, Wt, bt, Wo, bo, gate_param)

if __name__ == "__main__":
    import jax
    _d = setup_inputs()
    print(jax.jit(kernel)(*tuple(_d.values())))

</pallas_src>

<mosaic_0001>
module attributes {stable_mosaic.version = 14 : i64} {
  func.func @_text_body(%arg0: memref<8x768xf32, #tpu.memory_space<vmem>>, %arg1: memref<256x768xf32, #tpu.memory_space<vmem>>, %arg2: memref<1x256xf32, #tpu.memory_space<vmem>>, %arg3: memref<1x1xf32, #tpu.memory_space<vmem>>, %arg4: memref<8x256xf32, #tpu.memory_space<vmem>>) attributes {dimension_semantics = [], scalar_prefetch = 0 : i64, scratch_operands = 0 : i64, tpu.core_type = #tpu.core_type<tc>} {
    %get3A = arith.constant 0 : index
    %get3A_0 = arith.constant 0 : index
    %get3A_1 = vector.load %arg0[%get3A, %get3A_0] : memref<8x768xf32, #tpu.memory_space<vmem>>, vector<8x768xf32>
    %get3A_2 = arith.constant 0 : index
    %get3A_3 = arith.constant 0 : index
    %get3A_4 = vector.load %arg1[%get3A_2, %get3A_3] : memref<256x768xf32, #tpu.memory_space<vmem>>, vector<256x768xf32>
    %dot_general3A = arith.constant dense<0.000000e+00> : vector<8x256xf32>
    %dot_general3A_5 = tpu.matmul %get3A_1, %get3A_4, %dot_general3A {dimension_numbers = #tpu.dot_dimension_numbers<[1], [1], [0], [0], [0, 0, 1, 0], [], []>, transpose_lhs_hint = false} : vector<8x768xf32>, vector<256x768xf32>, vector<8x256xf32> -> vector<8x256xf32>
    %get3A_6 = arith.constant 0 : index
    %get3A_7 = arith.constant 0 : index
    %get3A_8 = vector.load %arg2[%get3A_6, %get3A_7] : memref<1x256xf32, #tpu.memory_space<vmem>>, vector<1x256xf32>
    %add3A = vector.broadcast %get3A_8 : vector<1x256xf32> to vector<8x256xf32>
    %add3A_9 = arith.addf %dot_general3A_5, %add3A : vector<8x256xf32>
    %max3A = arith.constant 0.000000e+00 : f32
    %max3A_10 = vector.broadcast %max3A : f32 to vector<8x256xf32>
    %max3A_11 = arith.maximumf %add3A_9, %max3A_10 : vector<8x256xf32>
    %mul3A = arith.constant 1.000000e-01 : f32
    %mul3A_12 = vector.broadcast %mul3A : f32 to vector<8x256xf32>
    %mul3A_13 = arith.mulf %max3A_11, %mul3A_12 : vector<8x256xf32>
    %reduce_sum3A = arith.constant dense<0.000000e+00> : vector<8xf32>
    %reduce_sum3A_14 = vector.multi_reduction <add>, %mul3A_13, %reduce_sum3A [1] : vector<8x256xf32> to vector<8xf32>
    %broadcast_in_dim3A = vector.shape_cast %reduce_sum3A_14 : vector<8xf32> to vector<8x1xf32>
    %div3A = arith.constant 2.560000e+02 : f32
    %div3A_15 = vector.broadcast %div3A : f32 to vector<8x1xf32>
    %div3A_16 = arith.divf %broadcast_in_dim3A, %div3A_15 : vector<8x1xf32>
    %sub3A = vector.broadcast %div3A_16 : vector<8x1xf32> to vector<8x256xf32>
    %sub3A_17 = arith.subf %mul3A_13, %sub3A : vector<8x256xf32>
    %integer_pow3A = arith.mulf %sub3A_17, %sub3A_17 : vector<8x256xf32>
    %reduce_sum3A_18 = arith.constant dense<0.000000e+00> : vector<8xf32>
    %reduce_sum3A_19 = vector.multi_reduction <add>, %integer_pow3A, %reduce_sum3A_18 [1] : vector<8x256xf32> to vector<8xf32>
    %broadcast_in_dim3A_20 = vector.shape_cast %reduce_sum3A_19 : vector<8xf32> to vector<8x1xf32>
    %div3A_21 = arith.constant 2.560000e+02 : f32
    %div3A_22 = vector.broadcast %div3A_21 : f32 to vector<8x1xf32>
    %div3A_23 = arith.divf %broadcast_in_dim3A_20, %div3A_22 : vector<8x1xf32>
    %sub3A_24 = vector.broadcast %div3A_16 : vector<8x1xf32> to vector<8x256xf32>
    %sub3A_25 = arith.subf %mul3A_13, %sub3A_24 : vector<8x256xf32>
    %add3A_26 = arith.constant 9.99999974E-6 : f32
    %add3A_27 = vector.broadcast %add3A_26 : f32 to vector<8x1xf32>
    %add3A_28 = arith.addf %div3A_23, %add3A_27 : vector<8x1xf32>
    %sqrt3A = math.sqrt %add3A_28 : vector<8x1xf32>
    %div3A_29 = vector.broadcast %sqrt3A : vector<8x1xf32> to vector<8x256xf32>
    %div3A_30 = arith.divf %sub3A_25, %div3A_29 : vector<8x256xf32>
    %get3A_31 = arith.constant 0 : index
    %get3A_32 = arith.constant 0 : index
    %get3A_33 = vector.load %arg3[%get3A_31, %get3A_32] : memref<1x1xf32, #tpu.memory_space<vmem>>, vector<1x1xf32>
    %get3A_34 = vector.extract %get3A_33[0, 0] : f32 from vector<1x1xf32>
    %logistic3A = arith.negf %get3A_34 : f32
    %logistic3A_35 = math.exp %logistic3A : f32
    %logistic3A_36 = arith.constant 1.000000e+00 : f32
    %logistic3A_37 = arith.addf %logistic3A_36, %logistic3A_35 : f32
    %logistic3A_38 = arith.divf %logistic3A_36, %logistic3A_37 : f32
    %mul3A_39 = vector.broadcast %logistic3A_38 : f32 to vector<8x256xf32>
    %mul3A_40 = arith.mulf %mul3A_39, %div3A_30 : vector<8x256xf32>
    %swap3A = arith.constant 0 : index
    %swap3A_41 = arith.constant 0 : index
    %swap3A_42 = vector.load %arg4[%swap3A, %swap3A_41] : memref<8x256xf32, #tpu.memory_space<vmem>>, vector<8x256xf32>
    tpu.vector_store %arg4[%swap3A, %swap3A_41], %mul3A_40 {strides = array<i32>} : memref<8x256xf32, #tpu.memory_space<vmem>>, vector<8x256xf32>,
    return
  }
}

module attributes {stable_mosaic.version = 14 : i64} {
  func.func @_mlp_body(%arg0: i32, %arg1: i32, %arg2: memref<1x512x512xf32, #tpu.memory_space<vmem>>, %arg3: memref<256x512xf32, #tpu.memory_space<vmem>>, %arg4: memref<1x256xf32, #tpu.memory_space<vmem>>, %arg5: memref<1x1x256xf32, #tpu.memory_space<vmem>>, %arg6: memref<512x256xf32, #tpu.memory_space<vmem>>, %arg7: memref<1x512xf32, #tpu.memory_space<vmem>>, %arg8: memref<1x512x512xf32, #tpu.memory_space<vmem>>) attributes {dimension_semantics = [#tpu.dimension_semantics<arbitrary>, #tpu.dimension_semantics<arbitrary>], iteration_bounds = array<i64: 8, 4>, scalar_prefetch = 0 : i64, scratch_operands = 0 : i64, tpu.core_type = #tpu.core_type<tc>, window_params = [{transform_indices = @transform_0, window_bounds = array<i64: 1, 512, 512>}, {pipeline_mode = #tpu.pipeline_mode<synchronous>, transform_indices = @transform_1, window_bounds = array<i64: 256, 512>}, {pipeline_mode = #tpu.pipeline_mode<synchronous>, transform_indices = @transform_2, window_bounds = array<i64: 1, 256>}, {transform_indices = @transform_3, window_bounds = array<i64: 1, 1, 256>}, {pipeline_mode = #tpu.pipeline_mode<synchronous>, transform_indices = @transform_4, window_bounds = array<i64: 512, 256>}, {pipeline_mode = #tpu.pipeline_mode<synchronous>, transform_indices = @transform_5, window_bounds = array<i64: 1, 512>}, {transform_indices = @transform_6, window_bounds = array<i64: 1, 512, 512>}]} {
    %get3A = arith.constant 0 : index
    %get3A_0 = arith.constant 0 : index
    %get3A_1 = arith.constant 0 : index
    %get3A_2 = vector.load %arg2[%get3A, %get3A_0, %get3A_1] : memref<1x512x512xf32, #tpu.memory_space<vmem>>, vector<1x512x512xf32>
    %get3A_3 = vector.shape_cast %get3A_2 : vector<1x512x512xf32> to vector<512x512xf32>
    %get3A_4 = arith.constant 0 : index
    %get3A_5 = arith.constant 0 : index
    %get3A_6 = vector.load %arg3[%get3A_4, %get3A_5] : memref<256x512xf32, #tpu.memory_space<vmem>>, vector<256x512xf32>
    %dot_general3A = arith.constant dense<0.000000e+00> : vector<512x256xf32>
    %dot_general3A_7 = tpu.matmul %get3A_3, %get3A_6, %dot_general3A {dimension_numbers = #tpu.dot_dimension_numbers<[1], [1], [0], [0], [0, 0, 1, 0], [], []>, transpose_lhs_hint = false} : vector<512x512xf32>, vector<256x512xf32>, vector<512x256xf32> -> vector<512x256xf32>
    %get3A_8 = arith.constant 0 : index
    %get3A_9 = arith.constant 0 : index
    %get3A_10 = vector.load %arg4[%get3A_8, %get3A_9] : memref<1x256xf32, #tpu.memory_space<vmem>>, vector<1x256xf32>
    %add3A = vector.broadcast %get3A_10 : vector<1x256xf32> to vector<512x256xf32>
    %add3A_11 = arith.addf %dot_general3A_7, %add3A : vector<512x256xf32>
    %reduce_sum3A = arith.constant dense<0.000000e+00> : vector<512xf32>
    %reduce_sum3A_12 = vector.multi_reduction <add>, %add3A_11, %reduce_sum3A [1] : vector<512x256xf32> to vector<512xf32>
    %broadcast_in_dim3A = vector.shape_cast %reduce_sum3A_12 : vector<512xf32> to vector<512x1xf32>
    %div3A = arith.constant 2.560000e+02 : f32
    %div3A_13 = vector.broadcast %div3A : f32 to vector<512x1xf32>
    %div3A_14 = arith.divf %broadcast_in_dim3A, %div3A_13 : vector<512x1xf32>
    %sub3A = vector.broadcast %div3A_14 : vector<512x1xf32> to vector<512x256xf32>
    %sub3A_15 = arith.subf %add3A_11, %sub3A : vector<512x256xf32>
    %integer_pow3A = arith.mulf %sub3A_15, %sub3A_15 : vector<512x256xf32>
    %reduce_sum3A_16 = arith.constant dense<0.000000e+00> : vector<512xf32>
    %reduce_sum3A_17 = vector.multi_reduction <add>, %integer_pow3A, %reduce_sum3A_16 [1] : vector<512x256xf32> to vector<512xf32>
    %broadcast_in_dim3A_18 = vector.shape_cast %reduce_sum3A_17 : vector<512xf32> to vector<512x1xf32>
    %div3A_19 = arith.constant 2.560000e+02 : f32
    %div3A_20 = vector.broadcast %div3A_19 : f32 to vector<512x1xf32>
    %div3A_21 = arith.divf %broadcast_in_dim3A_18, %div3A_20 : vector<512x1xf32>
    %sub3A_22 = vector.broadcast %div3A_14 : vector<512x1xf32> to vector<512x256xf32>
    %sub3A_23 = arith.subf %add3A_11, %sub3A_22 : vector<512x256xf32>
    %add3A_24 = arith.constant 9.99999974E-6 : f32
    %add3A_25 = vector.broadcast %add3A_24 : f32 to vector<512x1xf32>
    %add3A_26 = arith.addf %div3A_21, %add3A_25 : vector<512x1xf32>
    %sqrt3A = math.sqrt %add3A_26 : vector<512x1xf32>
    %div3A_27 = vector.broadcast %sqrt3A : vector<512x1xf32> to vector<512x256xf32>
    %div3A_28 = arith.divf %sub3A_23, %div3A_27 : vector<512x256xf32>
    %get3A_29 = arith.constant 0 : index
    %get3A_30 = arith.constant 0 : index
    %get3A_31 = arith.constant 0 : index
    %get3A_32 = vector.load %arg5[%get3A_29, %get3A_30, %get3A_31] : memref<1x1x256xf32, #tpu.memory_space<vmem>>, vector<1x1x256xf32>
    %get3A_33 = vector.shape_cast %get3A_32 : vector<1x1x256xf32> to vector<1x256xf32>
    %add3A_34 = vector.broadcast %get3A_33 : vector<1x256xf32> to vector<512x256xf32>
    %add3A_35 = arith.addf %div3A_28, %add3A_34 : vector<512x256xf32>
    %get3A_36 = arith.constant 0 : index
    %get3A_37 = arith.constant 0 : index
    %get3A_38 = vector.load %arg6[%get3A_36, %get3A_37] : memref<512x256xf32, #tpu.memory_space<vmem>>, vector<512x256xf32>
    %dot_general3A_39 = arith.constant dense<0.000000e+00> : vector<512x512xf32>
    %dot_general3A_40 = tpu.matmul %add3A_35, %get3A_38, %dot_general3A_39 {dimension_numbers = #tpu.dot_dimension_numbers<[1], [1], [0], [0], [0, 0, 1, 0], [], []>, transpose_lhs_hint = false} : vector<512x256xf32>, vector<512x256xf32>, vector<512x512xf32> -> vector<512x512xf32>
    %get3A_41 = arith.constant 0 : index
    %get3A_42 = arith.constant 0 : index
    %get3A_43 = vector.load %arg7[%get3A_41, %get3A_42] : memref<1x512xf32, #tpu.memory_space<vmem>>, vector<1x512xf32>
    %add3A_44 = vector.broadcast %get3A_43 : vector<1x512xf32> to vector<512x512xf32>
    %add3A_45 = arith.addf %dot_general3A_40, %add3A_44 : vector<512x512xf32>
    %mul3A = arith.mulf %add3A_45, %add3A_45 : vector<512x512xf32>
    %reduce_sum3A_46 = arith.constant dense<0.000000e+00> : vector<512xf32>
    %reduce_sum3A_47 = vector.multi_reduction <add>, %mul3A, %reduce_sum3A_46 [1] : vector<512x512xf32> to vector<512xf32>
    %broadcast_in_dim3A_48 = vector.shape_cast %reduce_sum3A_47 : vector<512xf32> to vector<512x1xf32>
    %sqrt3A_49 = math.sqrt %broadcast_in_dim3A_48 : vector<512x1xf32>
    %mul3A_50 = arith.mulf %get3A_3, %get3A_3 : vector<512x512xf32>
    %reduce_sum3A_51 = arith.constant dense<0.000000e+00> : vector<512xf32>
    %reduce_sum3A_52 = vector.multi_reduction <add>, %mul3A_50, %reduce_sum3A_51 [1] : vector<512x512xf32> to vector<512xf32>
    %broadcast_in_dim3A_53 = vector.shape_cast %reduce_sum3A_52 : vector<512xf32> to vector<512x1xf32>
    %sqrt3A_54 = math.sqrt %broadcast_in_dim3A_53 : vector<512x1xf32>
    %max3A = arith.constant 9.99999996E-13 : f32
    %max3A_55 = vector.broadcast %max3A : f32 to vector<512x1xf32>
    %max3A_56 = arith.maximumf %sqrt3A_49, %max3A_55 : vector<512x1xf32>
    %div3A_57 = vector.broadcast %max3A_56 : vector<512x1xf32> to vector<512x512xf32>
    %div3A_58 = arith.divf %add3A_45, %div3A_57 : vector<512x512xf32>
    %mul3A_59 = vector.broadcast %sqrt3A_54 : vector<512x1xf32> to vector<512x512xf32>
    %mul3A_60 = arith.mulf %div3A_58, %mul3A_59 : vector<512x512xf32>
    %swap3A = arith.constant 0 : index
    %swap3A_61 = arith.constant 0 : index
    %swap3A_62 = arith.constant 0 : index
    %swap3A_63 = vector.load %arg8[%swap3A, %swap3A_61, %swap3A_62] : memref<1x512x512xf32, #tpu.memory_space<vmem>>, vector<1x512x512xf32>
    %swap3A_64 = vector.shape_cast %swap3A_63 : vector<1x512x512xf32> to vector<512x512xf32>
    %swap3A_65 = vector.shape_cast %mul3A_60 : vector<512x512xf32> to vector<1x512x512xf32>
    tpu.vector_store %arg8[%swap3A, %swap3A_61, %swap3A_62], %swap3A_65 {strides = array<i32>} : memref<1x512x512xf32, #tpu.memory_space<vmem>>, vector<1x512x512xf32>,
    return
  }
  func.func @transform_0(%arg0: i32, %arg1: i32) -> (i32, i32, i32) {
    %c0_i32 = arith.constant 0 : i32
    %c0_i32_0 = arith.constant 0 : i32
    return %arg0, %arg1, %c0_i32 : i32, i32, i32
  }
  func.func @transform_1(%arg0: i32, %arg1: i32) -> (i32, i32) {
    %c0_i32 = arith.constant 0 : i32
    %c0_i32_0 = arith.constant 0 : i32
    %c0_i32_1 = arith.constant 0 : i32
    return %c0_i32, %c0_i32_0 : i32, i32
  }
  func.func @transform_2(%arg0: i32, %arg1: i32) -> (i32, i32) {
    %c0_i32 = arith.constant 0 : i32
    %c0_i32_0 = arith.constant 0 : i32
    %c0_i32_1 = arith.constant 0 : i32
    return %c0_i32, %c0_i32_0 : i32, i32
  }
  func.func @transform_3(%arg0: i32, %arg1: i32) -> (i32, i32, i32) {
    %c0_i32 = arith.constant 0 : i32
    %c0_i32_0 = arith.constant 0 : i32
    %c0_i32_1 = arith.constant 0 : i32
    return %arg0, %c0_i32, %c0_i32_0 : i32, i32, i32
  }
  func.func @transform_4(%arg0: i32, %arg1: i32) -> (i32, i32) {
    %c0_i32 = arith.constant 0 : i32
    %c0_i32_0 = arith.constant 0 : i32
    %c0_i32_1 = arith.constant 0 : i32
    return %c0_i32, %c0_i32_0 : i32, i32
  }
  func.func @transform_5(%arg0: i32, %arg1: i32) -> (i32, i32) {
    %c0_i32 = arith.constant 0 : i32
    %c0_i32_0 = arith.constant 0 : i32
    %c0_i32_1 = arith.constant 0 : i32
    return %c0_i32, %c0_i32_0 : i32, i32
  }
  func.func @transform_6(%arg0: i32, %arg1: i32) -> (i32, i32, i32) {
    %c0_i32 = arith.constant 0 : i32
    %c0_i32_0 = arith.constant 0 : i32
    return %arg0, %arg1, %c0_i32 : i32, i32, i32
  }
}

</mosaic_0001>

<sc_bundles>
// kernel: gather_offload_async_start
scs
__scs_entry_jumppad:
0x0: {  	(pc) =	sbr.rel $0x88, $3  }
0x1: {  	(tag) =	ssettag $0x0;
	lr =	simm.s32 $0x1  }
0x2: {  	[smem:$0x3F94] =	sst lr;
	_ =	strace $0xD0000000  }
0x3: {  	_ = 	snop  }
0x4: {  	_ = 	snop  }
0x5: {  	_ = 	snop  }
0x6: {  	_ = 	snop  }
0x7: {  	_ = 	snop  }
__scs_overlays_trampoline_lowered:
0x8: {  	[smem:$0x3FA3] =	sst s0  }
0x9: {  	[smem:$0x3FA4] =	sst s1  }
0xa: {  	[smem:$0x3FA5] =	sst s2  }
0xb: {  	[smem:$0x3FA6] =	sst s3  }
0xc: {  	[smem:$0x3FA7] =	sst s4  }
0xd: {  	[smem:$0x3FA8] =	sst s5  }
0xe: {  	[smem:$0x3FA9] =	sst s6  }
0xf: {  	[smem:$0x3FAA] =	sst s7  }
0x10: {  	[smem:$0x3FAB] =	sst s8  }
0x11: {  	[smem:$0x3FAC] =	sst s9;
	s0 =	simm.s32 @!p0 $0x0  }
0x12: {  	s1 =	sld [smem:$0x3F92];
	s0 =	simm.s32 @p0 $0x1  }
0x13: {  	[smem:$0x3FAD] =	sst s0;
	s0 =	simm.s32 @!p1 $0x0  }
0x14: {  	s2 =	sld [smem:$0x3F91];
	s0 =	simm.s32 @p1 $0x1  }
0x15: {  	[smem:$0x3FAE] =	sst s0;
	s0 =	simm.s32 @!p2 $0x0  }
0x16: {  	s3 =	sld [smem:$0x3FDB];
	s0 =	simm.s32 @p2 $0x1  }
0x17: {  	s4 =	simm.s32 $0x1BF5;
	[smem:$0x3FB0] =	sst s0  }
0x18: {  	s0 =	sld [smem:$0x3F93];
	_ =	swait.ge [sflag:s4], $0x0  }
0x19: {  	s7 =	sld [smem:$0x3F94]  }
0x1a: {  	s8 =	sadd.s32 $0xFFFFE003, lr  }
0x1b: {  	s9 =	sadd.s32 $0xFFFFFEF7, lr;
	s5 =	simm.s32 $0xFFFFFFFF;
	p2 =	slt.u32 s8, $0xFFFFF086  }
0x1c: {  	p1 =	slt.u32 s9, $0xF7A;
	s5 =	simm.s32 @!p2 $0x0  }
0x1d: {  	s5 =	simm.s32 @p1 $0x1;
	p0 =	seq.s32 s7, s2  }
0x1e: {  	s7 =	smul.u32 @!p0 $0xF7A, s2;
	p2 =	seq.s32 @!p0 s5, $0x0  }
0x1f: {  	s9 =	smul.u32 $0xF7A, s1;
	s8 =	simm.s32 @!p0 $0x1BF5;
	p2 =	por !p2, p0  }
0x20: {  	[sflag:s8] =	ssyncset.s32 @!p0 $0xFFFFF086;
	s6 =	sadd.s32 @!p0 s3, s7;
	s7 =	simm.s32 @!p0 $0x108  }
0x21: {  	s3 =	sadd.s32 s3, s9;
	s6 =	sadd.s32 @!p0 $0x88, s6;
	s7 =	simm.s32 @p2 $0x1082  }
0x22: {  	[simem:s7], [sflag:s8] =	dma.local @!p0 [hbm:s6], $0xF7A  }
0x23: {  	s9 =	sor.u32 $0xD0000000, s2;
	s6 =	simm.s32 $0x108;
	_ =	swait.ge @!p0 [sflag:s8], $0x0  }
0x24: {  	s3 =	sadd.s32 $0x88, s3;
	s6 =	simm.s32 @!p1 $0x1082;
	[sflag:s4] =	ssyncset.s32 $0xFFFFF086  }
0x25: {  	[simem:s6], [sflag:s4] =	dma.local [hbm:s3], $0xF7A  }
0x26: {  	[smem:$0x3F94] =	sst s1;
	(tag) =	ssettag s2;
	_ =	strace s9  }
0x27: {  	s1 =	sld [smem:$0x3FA4]  }
0x28: {  	s2 =	sld [smem:$0x3FA5]  }
0x29: {  	s4 =	sld [smem:$0x3FA7]  }
0x2a: {  	p0 =	seq.s32 s5, $0x0;
	s5 =	sld [smem:$0x3FA8]  }
0x2b: {  	s6 =	sld [smem:$0x3FA9]  }
0x2c: {  	s7 =	sld [smem:$0x3FAA]  }
0x2d: {  	s3 =	simm.s32 $0x108;
	s8 =	sld [smem:$0x3FAB]  }
0x2e: {  	s3 =	simm.s32 @!p0 $0x1082;
	s9 =	sld [smem:$0x3FAC]  }
0x2f: {  	lr =	sadd.s32 s0, s3;
	s0 =	sld [smem:$0x3FA3]  }
0x30: {  	s3 =	sld [smem:$0x3FA6]  }
0x31: {  	[smem:$0x3FAF] =	sst s10  }
0x32: {  	s10 =	sld [smem:$0x3FAD];
	_ =	sdelay $0x3  }
0x33: {  	p0 =	seq.s32 s10, $0x1;
	s10 =	sld [smem:$0x3FAF];
	_ =	sdelay $0x3  }
0x34: {  	[smem:$0x3FAF] =	sst s10  }
0x35: {  	s10 =	sld [smem:$0x3FAE];
	_ =	sdelay $0x3  }
0x36: {  	p1 =	seq.s32 s10, $0x1;
	s10 =	sld [smem:$0x3FAF];
	_ =	sdelay $0x3  }
0x37: {  	[smem:$0x3FAF] =	sst s10  }
0x38: {  	s10 =	sld [smem:$0x3FB0]  }
0x39: {  	_ = 	snop;
	(pc) =	sbr.ind lr, $3  }
0x3a: {  	_ = 	snop  }
0x3b: {  	_ = 	snop  }
0x3c: {  	p2 =	seq.s32 s10, $0x1;
	s10 =	sld [smem:$0x3FAF]  }
0x3d: {  	_ =	shalt  }
0x3e: {  	_ =	shalt  }
0x3f: {  	_ =	shalt  }
0x40: {  	_ =	shalt  }
0x41: {  	_ =	shalt  }
0x42: {  	_ =	shalt  }
0x43: {  	_ =	shalt  }
0x44: {  	_ =	shalt  }
0x45: {  	_ =	shalt  }
0x46: {  	_ =	shalt  }
0x47: {  	_ =	shalt  }
0x48: {  	_ =	shalt  }
0x49: {  	_ =	shalt  }
0x4a: {  	_ =	shalt  }
0x4b: {  	_ =	shalt  }
0x4c: {  	_ =	shalt  }
0x4d: {  	_ =	shalt  }
0x4e: {  	_ =	shalt  }
0x4f: {  	_ =	shalt  }
0x50: {  	_ =	shalt  }
0x51: {  	_ =	shalt  }
0x52: {  	_ =	shalt  }
0x53: {  	_ =	shalt  }
0x54: {  	_ =	shalt  }
0x55: {  	_ =	shalt  }
0x56: {  	_ =	shalt  }
0x57: {  	_ =	shalt  }
0x58: {  	_ =	shalt  }
0x59: {  	_ =	shalt  }
0x5a: {  	_ =	shalt  }
0x5b: {  	_ =	shalt  }
0x5c: {  	_ =	shalt  }
0x5d: {  	_ =	shalt  }
0x5e: {  	_ =	shalt  }
0x5f: {  	_ =	shalt  }
0x60: {  	_ =	shalt  }
0x61: {  	_ =	shalt  }
0x62: {  	_ =	shalt  }
0x63: {  	_ =	shalt  }
0x64: {  	_ =	shalt  }
0x65: {  	_ =	shalt  }
0x66: {  	_ =	shalt  }
0x67: {  	_ =	shalt  }
0x68: {  	_ =	shalt  }
0x69: {  	_ =	shalt  }
0x6a: {  	_ =	shalt  }
0x6b: {  	_ =	shalt  }
0x6c: {  	_ =	shalt  }
0x6d: {  	_ =	shalt  }
0x6e: {  	_ =	shalt  }
0x6f: {  	_ =	shalt  }
0x70: {  	_ =	shalt  }
0x71: {  	_ =	shalt  }
0x72: {  	_ =	shalt  }
0x73: {  	_ =	shalt  }
0x74: {  	_ =	shalt  }
0x75: {  	_ =	shalt  }
0x76: {  	_ =	shalt  }
0x77: {  	_ =	shalt  }
0x78: {  	_ =	shalt  }
0x79: {  	_ =	shalt  }
0x7a: {  	_ =	shalt  }
0x7b: {  	_ =	shalt  }
0x7c: {  	_ =	shalt  }
0x7d: {  	_ =	shalt  }
0x7e: {  	_ =	shalt  }
0x7f: {  	_ =	shalt  }
0x80: {  	_ =	shalt  }
0x81: {  	_ =	shalt  }
0x82: {  	_ =	shalt  }
0x83: {  	_ =	shalt  }
0x84: {  	_ =	shalt  }
0x85: {  	_ =	shalt  }
0x86: {  	_ =	shalt  }
0x87: {  	_ =	shalt  }
.Lfunc_end0:
.L_simem_size_0:
called_computation_lowered:
.L_overlay_start_0:
0x88: {  	s2 =	sld [smem:$0x3FD9]  }
0x89: {  	s3 =	sld [smem:$0x3FFE];
	_ =	sdelay $0x1  }
0x8a: {  	s1 =	srdreg.scid  }
0x8b: {  	s0 =	sand.u32 $0x1, s1  }
0x8c: {  	s14 =	sshll.u32 s0, $0xA;
	s2 =	sadd.s32 s3, s2  }
0x8d: {  	s2 =	sadd.s32 s2, s14  }
0x8e: {  	[smem:$0x3FBB] =	sst s2  }
0x8f: {  	_ = 	snop  }
0x90: {  	s2 =	sld [smem:$0x3FD0];
	_ =	sdelay $0x2  }
0x91: {  	s15 =	simm.s32 $0xA;
	s4 =	simm.s32 $0x10  }
0x92: {  	[smem:s4], [sflag:s15] =	dma.local [hbm:s2], $0x1  }
0x93: {  	_ =	swait.eq [sflag:s15], $0x1  }
0x94: {  	[sflag:s15] =	ssyncset.done $0x0  }
0x95: {  	s16 =	sld [smem:$0x10];
	[sflag:s15] =	ssyncadd.s32 $0xFFFFFFFF  }
0x96: {  	s17 =	sld [smem:$0x13];
	(tm) =	ssettm $0x1  }
0x97: {  	s18 =	sld [smem:$0x3FFB];
	_ =	sdelay $0x3  }
0x98: {  	_ =	strace s18  }
0x99: {  	s4 =	sld [smem:$0x3FFC];
	_ =	sdelay $0x3  }
0x9a: {  	_ =	strace s4  }
0x9b: {  	s4 =	sld [smem:$0x3FFD];
	_ =	sdelay $0x3  }
0x9c: {  	_ =	strace s4  }
0x9d: {  	_ =	strace $0x8FFFFFFF  }
0x9e: {  	s19 =	sld [smem:$0x3FDB];
	_ =	sdelay $0x1  }
0x9f: {  	s5 =	simm.s32 $_scs_section_size  }
0xa0: {  	s6 =	simm.s32 $_size__tile_overlayer_lowered;
	s7 =	simm.s32 $_tile_overlayer_lowered  }
0xa1: {  	s22 =	simm.s32 $0x1BFF;
	s21 =	sshll.u32 s7, $0x1;
	s4 =	sadd.s32 s5, s19  }
0xa2: {  	s8 =	simm.s32 $0x0;
	s20 =	sshll.u32 s6, $0x1;
	s6 =	sadd.s32 s21, s4  }
0xa3: {  	[timem:s8], [sflag:s22] =	dma.local [hbm:s6], s20  }
0xa4: {  	_ =	swait.ge [sflag:s22], s20  }
0xa5: {  	s5 =	ssub.s32 $0x0, s20;
	[sflag:s22] =	ssyncset.done $0x0  }
0xa6: {  	[sflag:s22] =	ssyncadd.s32 s5;
	_ =	sdelay $0x1  }
0xa7: {  	s23 =	simm.s32 $0x1B8B  }
0xa8: {  	_ =	swait.ge [sflag:s23], $0x1  }
0xa9: {  	[sflag:s23] =	ssyncset.done $0x0  }
0xaa: {  	s25 =	simm.s32 $0x1B8E;
	s24 =	sld [smem:$0x3FFE];
	[sflag:s23] =	ssyncadd.s32 $0xFFFFFFFF  }
0xab: {  	s26 =	simm.s32 $execute0_lowered;
	[smem:$0x3FD2] =	sst s25  }
0xac: {  	s6 =	sshll.u32 s26, $0x1;
	_ =	strace $0x80000046;
	[dreg:$0x1] =	wrdreg $0xFFFFFFFF  }
0xad: {  	s28 =	simm.s32 $_size_execute0_lowered;
	s4 =	sadd.s32 s4, s6;
	[dreg:$0x0] =	wrdreg $0x0  }
0xae: {  	s6 =	sshll.u32 s28, $0x1;
	[dreg:$0x2] =	wrdreg s4  }
0xaf: {  	[dreg:$0x3] =	wrdreg s6  }
0xb0: {  	[dreg:$0x4] =	wrdreg $0xC0  }
0xb1: {  	_ =	task [dreg:s8], $0x5FFFF  }
0xb2: {  	[dreg:$0x1] =	wrdreg $0xFFFFFFFF  }
0xb3: {  	[dreg:$0x0] =	wrdreg $0x60  }
0xb4: {  	[dreg:$0x2] =	wrdreg s16  }
0xb5: {  	[dreg:$0x3] =	wrdreg s24  }
0xb6: {  	[dreg:$0x4] =	wrdreg s17  }
0xb7: {  	[dreg:$0x5] =	wrdreg $0x9  }
0xb8: {  	_ =	task.clear_ibuf [dreg:s8], $0x6FFFF;
	_ =	strace $0x90000046  }
0xb9: {  	s29 =	simm.s32 $0x9;
	_ =	strace $0x80000048  }
0xba: {  	_ =	swait.ge [sflag:s29], $0x1  }
0xbb: {  	[sflag:s29] =	ssyncadd.s32 $0xFFFFFFFF  }
0xbc: {  	_ =	strace $0x90000048  }
0xbd: {  	_ =	sfence  }
0xbe: {  	s30 =	sld [smem:$0x0];
	_ =	sdelay $0x2  }
0xbf: {  	s31 =	sshll.u32 s1, $0xD;
	s1 =	sshrl.u32 s1, $0x2  }
0xc0: {  	s3 =	sand.u32 $0x4000, s31;
	s1 =	sadd.s32 s1, s30  }
0xc1: {  	s0 =	sor.u32 s3, s0;
	s1 =	sshll.u32 s1, $0x11  }
0xc2: {  	s0 =	sor.u32 s1, s0  }
0xc3: {  	s0 =	sadd.s32 $0x8F2B, s0  }
0xc4: {  	[sflag:s0] =	ssyncadd.remote.s32 $0x1  }
0xc5: {  	_ =	sfence.sel $0xFFFF  }
0xc6: {  	[dreg:$0x0] =	wrdreg $0xFFFFFFFF;
	(pc) =	sbr.abs _section_cstart, $3  }
0xc7: {  	[dreg:$0x1] =	wrdreg $0xFFFFFFFF  }
0xc8: {  	_ =	task.clear_ibuf [dreg:s8], $0x2FFFF;
	_ =	strace $0x9FFFFFFF  }
0xc9: {  	(tm) =	ssettm $0x7FFFFFFF  }
tec
execute0_lowered:
.L_overlay_start_1:
0x0: {  	(tag) =	ssettag $0x1  }
0x1: {  	s2 =	rddreg [dreg:$0x0]  }
0x2: {  	s7 =	rddreg [dreg:$0x1]  }
0x3: {  	s3 =	rddreg [dreg:$0x2]  }
0x4: {  	s0 =	rddreg [dreg:$0x3];
	s1 =	srdreg.scid;
	_ =	strace $0x80000047  }
0x5: {  	s4 =	simm.s32 $0x1;
	s9 =	simm.s32 $0x3;
	s5 =	sshll.u32 s1, $0x4  }
.Ltmp0:
0x6: {  	s1 =	stileid.u32;
	s5 =	sand.u32 $0x10, s5;
	(pc) =	sbr.rel .LBB2_1-.Ltmp0, $4  }
0x7: {  	s11 =	simm.s32 $0x0;
	p0 =	por $0x0, $0x0;
	s6 =	sor.u32 s1, s5  }
0x8: {  	[sflag:s4] =	ssyncpa.u1 $0x0;
	s5 =	simm.s32 $0x2;
	s6 =	sshll.u32 s6, $0x9  }
0x9: {  	s7 =	sadd.s32 $0x80200, s7;
	[sflag:s5] =	ssyncpa.u1 $0x0;
	s8 =	sadd.s32 $0x200, s6  }
0xa: {  	vm0 =	vmmov $0xff;
	vm1 =	vcmask $0x3F20;
	[sflag:s9] =	ssyncpa.u1 $0x0;
	s10 =	smov.u32 s6;
	s9 =	simm.s32 $0x0  }
.LBB2_9:
0xb: {  	p1 =	slt.u32 s9, $0x2;
	s11 =	sadd.s32 $0x40, s10  }
0xc: {  	s13 =	smov.u32 s6;
	s9 =	sadd.s32 $0x1, s9;
	p2 =	slt.s32 s11, s8  }
0xd: {  	s13 =	smov.u32 @p2 s11;
	p2 =	sne.s32 s9, $0xA  }
.Ltmp1:
0xe: {  	_ = 	snop;
	(pc) =	sbr.rel @!p2 .LBB2_10-.Ltmp1, $4  }
0xf: {  	s12 =	simm.s32 @!p1 $0x3  }
0x10: {  	_ =	swait.ge @!p1 [sflag:s12], $0x8000  }
0x11: {  	p0 =	por !p0, !p0;
	[sflag:s12] =	ssyncset.done @!p1 $0x0  }
0x12: {  	s11 =	smov.u32 s10;
	s10 =	smov.u32 s13;
	[sflag:s12] =	ssyncadd.s32 @!p1 $0xFFFF8000  }
.LBB2_1:
0x13: {  	p1 =	sgt.u32 s9, $0x7  }
0x14: {  	s12 =	sxor.u32 @!p1 $0xFFFFFFFF, s9  }
0x15: {  	s13 =	sshrl.u32 @!p1 s10, $0x3;
	s12 =	sshll.u32 @!p1 s12, $0x6  }
0x16: {  	s14 =	sand.u32 @!p1 $0x7, s10;
	s13 =	sadd.s32 @!p1 s7, s13;
	s12 =	sand.u32 @!p1 $0x40, s12  }
0x17: {  	[tilespmem:s12], [sflag:$0x2] =	stream.linear.gather @!p1 [hbm4b:s13+s14], $0x40, $0x38;
	[tilespmem:$0x10080] =	vst v63  }
0x18: {  	p1 =	seq.s32 s9, $0x0  }
0x19: {  	p2 =	seq.s32 @!p1 s9, $0x9  }
0x1a: {  	p1 =	por p1, p2  }
.Ltmp2:
0x1b: {  	_ = 	snop;
	(pc) =	sbr.rel @p1 .LBB2_9-.Ltmp2, $1  }
0x1c: {  	_ =	sdelay $0x3  }
0x1d: {  	s12 =	simm.s32 $0x1  }
0x1e: {  	s12 =	simm.s32 @!p0 $0x0  }
0x1f: {  	_ =	swait.ge [sflag:s5], $0x40;
	s13 =	sand.u32 $0x1, s9;
	s12 =	sshll.u32 s12, $0xF  }
0x20: {  	s14 =	simm.s32 $0x0;
	[sflag:s5] =	ssyncset.done $0x0;
	s12 =	sor.u32 $0x80, s12  }
0x21: {  	s13 =	sshll.u32 s13, $0x6;
	[sflag:s5] =	ssyncadd.s32 $0xFFFFFFC0;
	s15 =	smov.u32 s12  }
.LBB2_3:
0x22: {  	s16 =	sshll.u32 s14, $0x4  }
0x23: {  	s16 =	sand.u32 $0x3FFFFFF0, s16  }
0x24: {  	s16 =	sadd.s32 s16, s13  }
0x25: {  	v0 =	vld.msk [tilespmem:s16+$0x0 ss:$0x1], $0xffff;
	_ =	sdelay $0x4  }
0x26: {  	v1 =	vshrl.u32 v0, $0x3  }
0x27: {  	vm2 =	veq.s32 v0, $0x80000000;
	v1 =	vand.u32 $0xFFF, v1  }
0x28: {  	v0 =	vshll.u32 v0, $0x15;
	v1 =	vsel vm2, $0xFFFFFFFF, v1  }
0x29: {  	v0 =	vand.u32 $0xE00000, v0;
	v2 =	vshll.u32 v1, $0x9  }
0x2a: {  	v0 =	vsel vm2, $0xFFE00000, v0;
	v1 =	vshll.u32 v1, $0x7;
	v2 =	vand.u32 $0xFFFFF000, v2  }
0x2b: {  	v1 =	vand.u32 $0x380, v1;
	v0 =	vadd.s32 v0, v2  }
0x2c: {  	v0 =	vor.u32 v1, v0  }
0x2d: {  	v0 =	vshrl.u32 v0, $0x3;
	_ =	sdelay $0x3  }
0x2e: {  	s17 =	sadd.s32 $0x0, s15  }
0x2f: {  	[tilespmem:s17], [sflag:$0x1] =	stream.indirect_vreg.gather [hbm:s2], $0x80, v0, vm0, $0x38;
	[tilespmem:$0x10080] =	vst v63  }
0x30: {  	s16 =	simm.s32 $0x1000;
	v1 =	vadd.s32 $0x80, v0;
	s17 =	sadd.s32 $0x1000, s17  }
.LBB2_4:
0x31: {  	[tilespmem:s17], [sflag:$0x1] =	stream.indirect_vreg.gather [hbm:s2], $0x80, v0, vm1, $0x38;
	[tilespmem:$0x10080] =	vst v63  }
0x32: {  	v0 =	vmov v1;
	s17 =	smov.u32 s16;
	p1 =	sne.s32 s16, $0x3000  }
.Ltmp3:
0x33: {  	s16 =	sadd.s32 $0x1000, s16;
	(pc) =	sbr.rel @p1 .LBB2_4-.Ltmp3, $4  }
0x34: {  	s17 =	sshra.s32 s17, $0x2  }
0x35: {  	s17 =	sadd.s32 s17, s15  }
0x36: {  	[tilespmem:s17], [sflag:$0x1] =	stream.indirect_vreg.gather [hbm:s2], $0x80, v1, vm0, $0x38;
	[tilespmem:$0x10080] =	vst v63  }
0x37: {  	s17 =	sadd.s32 $0x1000, s17;
	v1 =	vadd.s32 $0x80, v1  }
0x38: {  	s14 =	sadd.s32 $0x1, s14  }
0x39: {  	p1 =	sne.s32 s14, $0x4  }
.Ltmp4:
0x3a: {  	_ = 	snop;
	(pc) =	sbr.rel @p1 .LBB2_3-.Ltmp4, $3  }
0x3b: {  	_ =	sdelay $0x1  }
0x3c: {  	[tilespmem:s17], [sflag:$0x1] =	stream.indirect_vreg.gather [hbm:s2], $0x80, v0, vm1, $0x38;
	[tilespmem:$0x10080] =	vst v63  }
0x3d: {  	s15 =	sadd.s32 $0x2000, s15  }
0x3e: {  	s13 =	sshll.u32 s11, $0x6  }
0x3f: {  	s31 =	sshll.u32 s11, $0x4;
	s13 =	sand.u32 $0xFFFFFE00, s13  }
0x40: {  	_ =	swait.ge [sflag:s4], $0x8000;
	s11 =	sand.u32 $0x70, s31;
	s13 =	sadd.s32 s13, s3  }
0x41: {  	s14 =	sadd.s32 $0x1000, s12;
	[sflag:s4] =	ssyncset.done $0x0;
	s11 =	sadd.s32 s11, s13  }
0x42: {  	[sflag:s4] =	ssyncadd.s32 $0xFFFF8000;
	s13 =	simm.s32 $0x200;
	s15 =	sadd.s32 $0x0, s11  }
.LBB2_7:
0x43: {  	[hbm:s15] =	stream.linear.scatter [tilespmem:s12], [sflag:$0x3], $0x1000, $0x38;
	[tilespmem:$0x10080] =	vst v63  }
0x44: {  	s15 =	smov.u32 s13;
	s12 =	smov.u32 s14;
	p1 =	sne.s32 s13, $0xE00  }
.Ltmp5:
0x45: {  	s13 =	sadd.s32 $0x200, s13;
	(pc) =	sbr.rel @p1 .LBB2_7-.Ltmp5, $2  }
0x46: {  	_ =	sdelay $0x2  }
0x47: {  	s14 =	sadd.s32 $0x1000, s14;
	s15 =	sadd.s32 s15, s11  }
.Ltmp6:
0x48: {  	(pc) =	sbr.rel .LBB2_9-.Ltmp6, $2  }
0x49: {  	_ =	sdelay $0x2  }
0x4a: {  	[hbm:s15] =	stream.linear.scatter [tilespmem:s12], [sflag:$0x3], $0x1000, $0x38;
	[tilespmem:$0x10080] =	vst v63  }
.LBB2_10:
0x4b: {  	_ =	sfence.sel $0x180000  }
0x4c: {  	s2 =	simm.s32 $0x2;
	[bflag:$0x0] =	sbarrier.arrive $0xFFFF  }
0x4d: {  	s30 =	simm.s32 $0x3;
	[sflag:s2] =	ssyncpa.u1 $0x1  }
0x4e: {  	s31 =	simm.s32 $0x1;
	[sflag:s30] =	ssyncpa.u1 $0x1  }
0x4f: {  	[sflag:s31] =	ssyncpa.u1 $0x1  }
0x50: {  	p0 =	sne.s32 s1, $0x0;
	_ =	strace $0x90000047  }
0x51: {  	s0 =	sadd.s32 @!p0 $0x100000, s0;
	[bflag:$0x2] =	sbarrier.arrive $0xFFFF  }
0x52: {  	[sflag:s0] =	ssyncadd.tile.s32 @!p0 $0x1;
	_ =	shalt  }
.Lfunc_end2:
_tile_overlayer_lowered:
.L_overlay_start_2:
0x53: {  	(tag) =	ssettag $0x2  }
0x54: {  	s0 =	rddreg [dreg:$0x0];
	s2 =	stileid.u32  }
0x55: {  	s1 =	rddreg [dreg:$0x1];
	p0 =	sne.s32 s2, $0x0  }
0x56: {  	s3 =	rddreg [dreg:$0x2];
	[bflag:$0x3] =	sbarrier.arrive $0xFFFF;
	s2 =	simm.s32 @!p0 $0x1C01  }
0x57: {  	[timem:s3], [sflag:s2] =	dma.local @!p0 [hbm:s0], s1  }
0x58: {  	s0 =	simm.s32 @!p0 $0x1  }
0x59: {  	_ =	swait.ge @!p0 [sflag:s0], s1  }
0x5a: {  	s1 =	ssub.s32 @!p0 $0x0, s1;
	[sflag:s0] =	ssyncset.done @!p0 $0x0  }
0x5b: {  	[sflag:s0] =	ssyncadd.s32 @!p0 s1  }
0x5c: {  	[bflag:$0x3] =	sbarrier.arrive $0xFFFF  }
0x5d: {  	_ =	shalt  }

</sc_bundles>
